<compile_context>
chip_gen: v7x
topology: tpu7x:2x2x1
jax: 0.10.2.dev20260603
libtpu: 0.0.44.dev20260713+nightly
codegen_flags: <defaults>
</compile_context>

<pallas_src>
import functools

import jax
import jax.numpy as jnp
from jax import lax
from jax.experimental import pallas as pl
from jax.experimental.pallas import tpu as pltpu
from jax.experimental.pallas import tpu_sc as plsc

BATCH = 16384
NF = 64
H1 = 512

NUM_WORKERS = 32
BPW = BATCH // NUM_WORKERS
CHUNK = 128
NCHUNK = BPW // CHUNK


def _gather_body(uidx_hbm, midx_hbm, utab_hbm, mtab_hbm, x_out,
                 uidx_v, midx_v, urows_v, mrows_v, sem):
    wid = lax.axis_index("s") * 2 + lax.axis_index("c")
    row0 = wid * NCHUNK
    base = wid * BPW

    pltpu.sync_copy(uidx_hbm.at[pl.ds(row0, NCHUNK)], uidx_v)
    pltpu.sync_copy(midx_hbm.at[pl.ds(row0, NCHUNK)], midx_v)

    copies = []
    for j in range(NCHUNK):
        c = pltpu.make_async_copy(
            utab_hbm.at[uidx_v.at[j]], urows_v.at[pl.ds(j * CHUNK, CHUNK)], sem)
        c.start()
        copies.append(c)
        c = pltpu.make_async_copy(
            mtab_hbm.at[midx_v.at[j]], mrows_v.at[pl.ds(j * CHUNK, CHUNK)], sem)
        c.start()
        copies.append(c)
    for c in copies:
        c.wait()

    pltpu.sync_copy(urows_v, x_out.at[pl.ds(base, BPW), pl.ds(0, NF)])
    pltpu.sync_copy(mrows_v, x_out.at[pl.ds(base, BPW), pl.ds(NF, NF)])


_gather = functools.partial(
    pl.kernel,
    mesh=plsc.VectorSubcoreMesh(core_axis_name="c", subcore_axis_name="s"),
    out_type=jax.ShapeDtypeStruct((BATCH, 2 * NF), jnp.float32),
    scratch_types=[
        pltpu.VMEM((NCHUNK, CHUNK), jnp.int32),
        pltpu.VMEM((NCHUNK, CHUNK), jnp.int32),
        pltpu.VMEM((BPW, NF), jnp.float32),
        pltpu.VMEM((BPW, NF), jnp.float32),
        pltpu.SemaphoreType.DMA,
    ],
    compiler_params=pltpu.CompilerParams(use_tc_tiling_on_sc=False),
)(_gather_body)


MLP_BLOCK = 1024


def _mlp_body(x_ref, w1_ref, b1_ref, w2t_ref, b2_ref, out_ref):
    h = jnp.dot(x_ref[...], w1_ref[...], preferred_element_type=jnp.float32) + b1_ref[...]
    h = jnp.maximum(h, 0.0)
    out_ref[...] = jnp.sum(h * w2t_ref[...], axis=1, keepdims=True) + b2_ref[...]


_mlp = pl.pallas_call(
    _mlp_body,
    grid=(BATCH // MLP_BLOCK,),
    in_specs=[
        pl.BlockSpec((MLP_BLOCK, 2 * NF), lambda i: (i, 0)),
        pl.BlockSpec((2 * NF, H1), lambda i: (0, 0)),
        pl.BlockSpec((1, H1), lambda i: (0, 0)),
        pl.BlockSpec((1, H1), lambda i: (0, 0)),
        pl.BlockSpec((1, 1), lambda i: (0, 0)),
    ],
    out_specs=pl.BlockSpec((MLP_BLOCK, 1), lambda i: (i, 0)),
    out_shape=jax.ShapeDtypeStruct((BATCH, 1), jnp.float32),
    compiler_params=pltpu.CompilerParams(
        dimension_semantics=("arbitrary",),
    ),
)


def kernel(user, movie, user_table, movie_table, W1, b1, W2, b2):
    uidx = user.astype(jnp.int32).reshape(BATCH // CHUNK, CHUNK)
    midx = movie.astype(jnp.int32).reshape(BATCH // CHUNK, CHUNK)
    x = _gather(uidx, midx, user_table, movie_table)
    return _mlp(x, W1, b1.reshape(1, H1), W2.reshape(1, H1), b2.reshape(1, 1))

# --- scband reference (transcript-rebuilt; emitter-appended) ---
"""Pipeline reference for scband-dense-net-79946521248047 (READ-ONLY COPY).

The authoritative reference and input builder live on the scoring server;
editing this copy changes nothing except your own understanding.
"""

import jax, jax.numpy as jnp
import numpy as np

NUM_USERS = 100000
NUM_MOVIES = 100000
N_FACTORS = 64
H1 = 512
D_OUT = 1
BATCH = 16384


def setup_inputs(seed: int = 0) -> dict:
    key = jax.random.key(seed)
    k1, k2, k3, k4, k5, k6, k7, k8 = jax.random.split(key, 8)
    user = jax.random.randint(k1, (BATCH,), 0, NUM_USERS, dtype=jnp.int64 if jax.config.jax_enable_x64 else jnp.int32)
    movie = jax.random.randint(k2, (BATCH,), 0, NUM_MOVIES, dtype=jnp.int64 if jax.config.jax_enable_x64 else jnp.int32)
    user_table = jax.random.normal(k3, (NUM_USERS, N_FACTORS), dtype=jnp.float32)
    movie_table = jax.random.normal(k4, (NUM_MOVIES, N_FACTORS), dtype=jnp.float32)
    # nn.Linear default init approximated with uniform(-1/sqrt(fan_in), 1/sqrt(fan_in))
    b = 1.0 / np.sqrt(2 * N_FACTORS)
    W1 = jax.random.uniform(k5, (2 * N_FACTORS, H1), dtype=jnp.float32, minval=-b, maxval=b)
    b1 = jax.random.uniform(k6, (H1,), dtype=jnp.float32, minval=-b, maxval=b)
    b2s = 1.0 / np.sqrt(H1)
    W2 = jax.random.uniform(k7, (H1, D_OUT), dtype=jnp.float32, minval=-b2s, maxval=b2s)
    b2 = jax.random.uniform(k8, (D_OUT,), dtype=jnp.float32, minval=-b2s, maxval=b2s)
    return {"user": user, "movie": movie, "user_table": user_table, "movie_table": movie_table, "W1": W1, "b1": b1, "W2": W2, "b2": b2}


def reference(user, movie, user_table, movie_table, W1, b1, W2, b2):
    users_embedding = jnp.take(user_table, user, axis=0)
    movies_embedding = jnp.take(movie_table, movie, axis=0)
    x = jnp.concatenate([users_embedding, movies_embedding], axis=1)
    h1_relu = jax.nn.relu(x @ W1 + b1)
    output_scores = h1_relu @ W2 + b2
    return output_scores

if __name__ == "__main__":
    import jax
    _d = setup_inputs()
    print(jax.jit(kernel)(*tuple(_d.values())))

</pallas_src>

<mosaic_0001>
#map = affine_map<(d0, d1) -> (0, 0)>
module attributes {stable_mosaic.version = 14 : i64} {
  func.func @_gather_body(%arg0: i32, %arg1: i32, %arg2: memref<128x128xi32, #tpu.memory_space<hbm>>, %arg3: memref<128x128xi32, #tpu.memory_space<hbm>>, %arg4: memref<100000x64xf32, #tpu.memory_space<hbm>>, %arg5: memref<100000x64xf32, #tpu.memory_space<hbm>>, %arg6: memref<16384x128xf32, #tpu.memory_space<hbm>>, %arg7: memref<4x128xi32, #tpu.memory_space<vmem>>, %arg8: memref<4x128xi32, #tpu.memory_space<vmem>>, %arg9: memref<512x64xf32, #tpu.memory_space<vmem>>, %arg10: memref<512x64xf32, #tpu.memory_space<vmem>>, %arg11: memref<!tpu.dma_semaphore, #tpu.memory_space<semaphore_mem>>) attributes {dimension_semantics = [#tpu.dimension_semantics<core_parallel>, #tpu.dimension_semantics<subcore_parallel>], iteration_bounds = array<i64: 2, 16>, scalar_prefetch = 0 : i64, scratch_operands = 5 : i64, tpu.core_type = #tpu.core_type<sc_vector_subcore>, window_params = [{transform_indices = #map}, {transform_indices = #map}, {transform_indices = #map}, {transform_indices = #map}, {transform_indices = #map}]} {
    %mul3A = arith.constant 2 : i32
    %mul3A_0 = arith.muli %arg1, %mul3A : i32
    %add3A = arith.addi %mul3A_0, %arg0 : i32
    %mul3A_1 = arith.constant 4 : i32
    %mul3A_2 = arith.muli %add3A, %mul3A_1 : i32
    %mul3A_3 = arith.constant 512 : i32
    %mul3A_4 = arith.muli %add3A, %mul3A_3 : i32
    "tpu.region"() ({
      %run_scoped3A = tpu.sem_alloc : memref<!tpu.dma_semaphore, #tpu.memory_space<semaphore_mem>>
      %dma_start3A_163 = arith.constant 0 : i32
      %dma_start3A_164 = tpu.memref_slice %arg2[%mul3A_2, %dma_start3A_163] : memref<128x128xi32, #tpu.memory_space<hbm>> -> memref<4x128xi32, #tpu.memory_space<hbm>>
      %dma_start3A_165 = arith.constant 0 : i32
      %dma_start3A_166 = tpu.memref_slice %arg2[%mul3A_2, %dma_start3A_165] : memref<128x128xi32, #tpu.memory_space<hbm>> -> memref<4x128xi32, #tpu.memory_space<hbm>>
      tpu.enqueue_dma source(%dma_start3A_166 : memref<4x128xi32, #tpu.memory_space<hbm>>) target(%arg7 : memref<4x128xi32, #tpu.memory_space<vmem>>) target_semaphore(%run_scoped3A : memref<!tpu.dma_semaphore, #tpu.memory_space<semaphore_mem>>)
      %dma_wait3A_167 = arith.constant 0 : i32
      %dma_wait3A_168 = tpu.memref_slice %arg2[%mul3A_2, %dma_wait3A_167] : memref<128x128xi32, #tpu.memory_space<hbm>> -> memref<4x128xi32, #tpu.memory_space<hbm>>
      %dma_wait3A_169 = arith.constant 0 : i32
      %dma_wait3A_170 = tpu.memref_slice %arg2[%mul3A_2, %dma_wait3A_169] : memref<128x128xi32, #tpu.memory_space<hbm>> -> memref<4x128xi32, #tpu.memory_space<hbm>>
      tpu.wait_dma2 semaphore(%run_scoped3A : memref<!tpu.dma_semaphore, #tpu.memory_space<semaphore_mem>>) src(%dma_wait3A_170 : memref<4x128xi32, #tpu.memory_space<hbm>>) dst(%arg7 : memref<4x128xi32, #tpu.memory_space<vmem>>)
      tpu.yield
    }) : () -> ()
    "tpu.region"() ({
      %run_scoped3A = tpu.sem_alloc : memref<!tpu.dma_semaphore, #tpu.memory_space<semaphore_mem>>
      %dma_start3A_163 = arith.constant 0 : i32
      %dma_start3A_164 = tpu.memref_slice %arg3[%mul3A_2, %dma_start3A_163] : memref<128x128xi32, #tpu.memory_space<hbm>> -> memref<4x128xi32, #tpu.memory_space<hbm>>
      %dma_start3A_165 = arith.constant 0 : i32
      %dma_start3A_166 = tpu.memref_slice %arg3[%mul3A_2, %dma_start3A_165] : memref<128x128xi32, #tpu.memory_space<hbm>> -> memref<4x128xi32, #tpu.memory_space<hbm>>
      tpu.enqueue_dma source(%dma_start3A_166 : memref<4x128xi32, #tpu.memory_space<hbm>>) target(%arg8 : memref<4x128xi32, #tpu.memory_space<vmem>>) target_semaphore(%run_scoped3A : memref<!tpu.dma_semaphore, #tpu.memory_space<semaphore_mem>>)
      %dma_wait3A_167 = arith.constant 0 : i32
      %dma_wait3A_168 = tpu.memref_slice %arg3[%mul3A_2, %dma_wait3A_167] : memref<128x128xi32, #tpu.memory_space<hbm>> -> memref<4x128xi32, #tpu.memory_space<hbm>>
      %dma_wait3A_169 = arith.constant 0 : i32
      %dma_wait3A_170 = tpu.memref_slice %arg3[%mul3A_2, %dma_wait3A_169] : memref<128x128xi32, #tpu.memory_space<hbm>> -> memref<4x128xi32, #tpu.memory_space<hbm>>
      tpu.wait_dma2 semaphore(%run_scoped3A : memref<!tpu.dma_semaphore, #tpu.memory_space<semaphore_mem>>) src(%dma_wait3A_170 : memref<4x128xi32, #tpu.memory_space<hbm>>) dst(%arg8 : memref<4x128xi32, #tpu.memory_space<vmem>>)
      tpu.yield
    }) : () -> ()
    %dma_start3A = arith.constant 0 : i32
    %dma_start3A_5 = arith.constant 0 : i32
    %dma_start3A_6 = arith.constant 0 : i32
    %dma_start3A_7 = tpu.memref_slice %arg9[%dma_start3A_5, %dma_start3A_6] : memref<512x64xf32, #tpu.memory_space<vmem>> -> memref<128x64xf32, #tpu.memory_space<vmem>>
    %dma_start3A_8 = arith.constant 0 : i32
    %dma_start3A_9 = tpu.memref_slice %arg7[%dma_start3A, %dma_start3A_8] : memref<4x128xi32, #tpu.memory_space<vmem>> -> memref<1x128xi32, #tpu.memory_space<vmem>>
    %dma_start3A_10 = tpu.memref_squeeze %dma_start3A_9 : memref<1x128xi32, #tpu.memory_space<vmem>> -> memref<128xi32, #tpu.memory_space<vmem>>
    %dma_start3A_11 = arith.constant 0 : i32
    %dma_start3A_12 = arith.constant 0 : i32
    %dma_start3A_13 = tpu.memref_slice %arg4[%dma_start3A_11, %dma_start3A_12] : memref<100000x64xf32, #tpu.memory_space<hbm>> -> memref<100000x64xf32, #tpu.memory_space<hbm>>
    tpu.enqueue_indirect_dma source(%dma_start3A_13 : memref<100000x64xf32, #tpu.memory_space<hbm>>) target(%dma_start3A_7 : memref<128x64xf32, #tpu.memory_space<vmem>>) offsets(%dma_start3A_10 : memref<128xi32, #tpu.memory_space<vmem>>) semaphore(%arg11 : memref<!tpu.dma_semaphore, #tpu.memory_space<semaphore_mem>>)
    %dma_start3A_14 = arith.constant 0 : i32
    %dma_start3A_15 = arith.constant 0 : i32
    %dma_start3A_16 = arith.constant 0 : i32
    %dma_start3A_17 = tpu.memref_slice %arg10[%dma_start3A_15, %dma_start3A_16] : memref<512x64xf32, #tpu.memory_space<vmem>> -> memref<128x64xf32, #tpu.memory_space<vmem>>
    %dma_start3A_18 = arith.constant 0 : i32
    %dma_start3A_19 = tpu.memref_slice %arg8[%dma_start3A_14, %dma_start3A_18] : memref<4x128xi32, #tpu.memory_space<vmem>> -> memref<1x128xi32, #tpu.memory_space<vmem>>
    %dma_start3A_20 = tpu.memref_squeeze %dma_start3A_19 : memref<1x128xi32, #tpu.memory_space<vmem>> -> memref<128xi32, #tpu.memory_space<vmem>>
    %dma_start3A_21 = arith.constant 0 : i32
    %dma_start3A_22 = arith.constant 0 : i32
    %dma_start3A_23 = tpu.memref_slice %arg5[%dma_start3A_21, %dma_start3A_22] : memref<100000x64xf32, #tpu.memory_space<hbm>> -> memref<100000x64xf32, #tpu.memory_space<hbm>>
    tpu.enqueue_indirect_dma source(%dma_start3A_23 : memref<100000x64xf32, #tpu.memory_space<hbm>>) target(%dma_start3A_17 : memref<128x64xf32, #tpu.memory_space<vmem>>) offsets(%dma_start3A_20 : memref<128xi32, #tpu.memory_space<vmem>>) semaphore(%arg11 : memref<!tpu.dma_semaphore, #tpu.memory_space<semaphore_mem>>)
    %dma_start3A_24 = arith.constant 1 : i32
    %dma_start3A_25 = arith.constant 128 : i32
    %dma_start3A_26 = arith.constant 0 : i32
    %dma_start3A_27 = tpu.memref_slice %arg9[%dma_start3A_25, %dma_start3A_26] : memref<512x64xf32, #tpu.memory_space<vmem>> -> memref<128x64xf32, #tpu.memory_space<vmem>>
    %dma_start3A_28 = arith.constant 0 : i32
    %dma_start3A_29 = tpu.memref_slice %arg7[%dma_start3A_24, %dma_start3A_28] : memref<4x128xi32, #tpu.memory_space<vmem>> -> memref<1x128xi32, #tpu.memory_space<vmem>>
    %dma_start3A_30 = tpu.memref_squeeze %dma_start3A_29 : memref<1x128xi32, #tpu.memory_space<vmem>> -> memref<128xi32, #tpu.memory_space<vmem>>
    %dma_start3A_31 = arith.constant 0 : i32
    %dma_start3A_32 = arith.constant 0 : i32
    %dma_start3A_33 = tpu.memref_slice %arg4[%dma_start3A_31, %dma_start3A_32] : memref<100000x64xf32, #tpu.memory_space<hbm>> -> memref<100000x64xf32, #tpu.memory_space<hbm>>
    tpu.enqueue_indirect_dma source(%dma_start3A_33 : memref<100000x64xf32, #tpu.memory_space<hbm>>) target(%dma_start3A_27 : memref<128x64xf32, #tpu.memory_space<vmem>>) offsets(%dma_start3A_30 : memref<128xi32, #tpu.memory_space<vmem>>) semaphore(%arg11 : memref<!tpu.dma_semaphore, #tpu.memory_space<semaphore_mem>>)
    %dma_start3A_34 = arith.constant 1 : i32
    %dma_start3A_35 = arith.constant 128 : i32
    %dma_start3A_36 = arith.constant 0 : i32
    %dma_start3A_37 = tpu.memref_slice %arg10[%dma_start3A_35, %dma_start3A_36] : memref<512x64xf32, #tpu.memory_space<vmem>> -> memref<128x64xf32, #tpu.memory_space<vmem>>
    %dma_start3A_38 = arith.constant 0 : i32
    %dma_start3A_39 = tpu.memref_slice %arg8[%dma_start3A_34, %dma_start3A_38] : memref<4x128xi32, #tpu.memory_space<vmem>> -> memref<1x128xi32, #tpu.memory_space<vmem>>
    %dma_start3A_40 = tpu.memref_squeeze %dma_start3A_39 : memref<1x128xi32, #tpu.memory_space<vmem>> -> memref<128xi32, #tpu.memory_space<vmem>>
    %dma_start3A_41 = arith.constant 0 : i32
    %dma_start3A_42 = arith.constant 0 : i32
    %dma_start3A_43 = tpu.memref_slice %arg5[%dma_start3A_41, %dma_start3A_42] : memref<100000x64xf32, #tpu.memory_space<hbm>> -> memref<100000x64xf32, #tpu.memory_space<hbm>>
    tpu.enqueue_indirect_dma source(%dma_start3A_43 : memref<100000x64xf32, #tpu.memory_space<hbm>>) target(%dma_start3A_37 : memref<128x64xf32, #tpu.memory_space<vmem>>) offsets(%dma_start3A_40 : memref<128xi32, #tpu.memory_space<vmem>>) semaphore(%arg11 : memref<!tpu.dma_semaphore, #tpu.memory_space<semaphore_mem>>)
    %dma_start3A_44 = arith.constant 2 : i32
    %dma_start3A_45 = arith.constant 256 : i32
    %dma_start3A_46 = arith.constant 0 : i32
    %dma_start3A_47 = tpu.memref_slice %arg9[%dma_start3A_45, %dma_start3A_46] : memref<512x64xf32, #tpu.memory_space<vmem>> -> memref<128x64xf32, #tpu.memory_space<vmem>>
    %dma_start3A_48 = arith.constant 0 : i32
    %dma_start3A_49 = tpu.memref_slice %arg7[%dma_start3A_44, %dma_start3A_48] : memref<4x128xi32, #tpu.memory_space<vmem>> -> memref<1x128xi32, #tpu.memory_space<vmem>>
    %dma_start3A_50 = tpu.memref_squeeze %dma_start3A_49 : memref<1x128xi32, #tpu.memory_space<vmem>> -> memref<128xi32, #tpu.memory_space<vmem>>
    %dma_start3A_51 = arith.constant 0 : i32
    %dma_start3A_52 = arith.constant 0 : i32
    %dma_start3A_53 = tpu.memref_slice %arg4[%dma_start3A_51, %dma_start3A_52] : memref<100000x64xf32, #tpu.memory_space<hbm>> -> memref<100000x64xf32, #tpu.memory_space<hbm>>
    tpu.enqueue_indirect_dma source(%dma_start3A_53 : memref<100000x64xf32, #tpu.memory_space<hbm>>) target(%dma_start3A_47 : memref<128x64xf32, #tpu.memory_space<vmem>>) offsets(%dma_start3A_50 : memref<128xi32, #tpu.memory_space<vmem>>) semaphore(%arg11 : memref<!tpu.dma_semaphore, #tpu.memory_space<semaphore_mem>>)
    %dma_start3A_54 = arith.constant 2 : i32
    %dma_start3A_55 = arith.constant 256 : i32
    %dma_start3A_56 = arith.constant 0 : i32
    %dma_start3A_57 = tpu.memref_slice %arg10[%dma_start3A_55, %dma_start3A_56] : memref<512x64xf32, #tpu.memory_space<vmem>> -> memref<128x64xf32, #tpu.memory_space<vmem>>
    %dma_start3A_58 = arith.constant 0 : i32
    %dma_start3A_59 = tpu.memref_slice %arg8[%dma_start3A_54, %dma_start3A_58] : memref<4x128xi32, #tpu.memory_space<vmem>> -> memref<1x128xi32, #tpu.memory_space<vmem>>
    %dma_start3A_60 = tpu.memref_squeeze %dma_start3A_59 : memref<1x128xi32, #tpu.memory_space<vmem>> -> memref<128xi32, #tpu.memory_space<vmem>>
    %dma_start3A_61 = arith.constant 0 : i32
    %dma_start3A_62 = arith.constant 0 : i32
    %dma_start3A_63 = tpu.memref_slice %arg5[%dma_start3A_61, %dma_start3A_62] : memref<100000x64xf32, #tpu.memory_space<hbm>> -> memref<100000x64xf32, #tpu.memory_space<hbm>>
    tpu.enqueue_indirect_dma source(%dma_start3A_63 : memref<100000x64xf32, #tpu.memory_space<hbm>>) target(%dma_start3A_57 : memref<128x64xf32, #tpu.memory_space<vmem>>) offsets(%dma_start3A_60 : memref<128xi32, #tpu.memory_space<vmem>>) semaphore(%arg11 : memref<!tpu.dma_semaphore, #tpu.memory_space<semaphore_mem>>)
    %dma_start3A_64 = arith.constant 3 : i32
    %dma_start3A_65 = arith.constant 384 : i32
    %dma_start3A_66 = arith.constant 0 : i32
    %dma_start3A_67 = tpu.memref_slice %arg9[%dma_start3A_65, %dma_start3A_66] : memref<512x64xf32, #tpu.memory_space<vmem>> -> memref<128x64xf32, #tpu.memory_space<vmem>>
    %dma_start3A_68 = arith.constant 0 : i32
    %dma_start3A_69 = tpu.memref_slice %arg7[%dma_start3A_64, %dma_start3A_68] : memref<4x128xi32, #tpu.memory_space<vmem>> -> memref<1x128xi32, #tpu.memory_space<vmem>>
    %dma_start3A_70 = tpu.memref_squeeze %dma_start3A_69 : memref<1x128xi32, #tpu.memory_space<vmem>> -> memref<128xi32, #tpu.memory_space<vmem>>
    %dma_start3A_71 = arith.constant 0 : i32
    %dma_start3A_72 = arith.constant 0 : i32
    %dma_start3A_73 = tpu.memref_slice %arg4[%dma_start3A_71, %dma_start3A_72] : memref<100000x64xf32, #tpu.memory_space<hbm>> -> memref<100000x64xf32, #tpu.memory_space<hbm>>
    tpu.enqueue_indirect_dma source(%dma_start3A_73 : memref<100000x64xf32, #tpu.memory_space<hbm>>) target(%dma_start3A_67 : memref<128x64xf32, #tpu.memory_space<vmem>>) offsets(%dma_start3A_70 : memref<128xi32, #tpu.memory_space<vmem>>) semaphore(%arg11 : memref<!tpu.dma_semaphore, #tpu.memory_space<semaphore_mem>>)
    %dma_start3A_74 = arith.constant 3 : i32
    %dma_start3A_75 = arith.constant 384 : i32
    %dma_start3A_76 = arith.constant 0 : i32
    %dma_start3A_77 = tpu.memref_slice %arg10[%dma_start3A_75, %dma_start3A_76] : memref<512x64xf32, #tpu.memory_space<vmem>> -> memref<128x64xf32, #tpu.memory_space<vmem>>
    %dma_start3A_78 = arith.constant 0 : i32
    %dma_start3A_79 = tpu.memref_slice %arg8[%dma_start3A_74, %dma_start3A_78] : memref<4x128xi32, #tpu.memory_space<vmem>> -> memref<1x128xi32, #tpu.memory_space<vmem>>
    %dma_start3A_80 = tpu.memref_squeeze %dma_start3A_79 : memref<1x128xi32, #tpu.memory_space<vmem>> -> memref<128xi32, #tpu.memory_space<vmem>>
    %dma_start3A_81 = arith.constant 0 : i32
    %dma_start3A_82 = arith.constant 0 : i32
    %dma_start3A_83 = tpu.memref_slice %arg5[%dma_start3A_81, %dma_start3A_82] : memref<100000x64xf32, #tpu.memory_space<hbm>> -> memref<100000x64xf32, #tpu.memory_space<hbm>>
    tpu.enqueue_indirect_dma source(%dma_start3A_83 : memref<100000x64xf32, #tpu.memory_space<hbm>>) target(%dma_start3A_77 : memref<128x64xf32, #tpu.memory_space<vmem>>) offsets(%dma_start3A_80 : memref<128xi32, #tpu.memory_space<vmem>>) semaphore(%arg11 : memref<!tpu.dma_semaphore, #tpu.memory_space<semaphore_mem>>)
    %dma_wait3A = arith.constant 0 : i32
    %dma_wait3A_84 = arith.constant 0 : i32
    %dma_wait3A_85 = arith.constant 0 : i32
    %dma_wait3A_86 = tpu.memref_slice %arg9[%dma_wait3A_84, %dma_wait3A_85] : memref<512x64xf32, #tpu.memory_space<vmem>> -> memref<128x64xf32, #tpu.memory_space<vmem>>
    %dma_wait3A_87 = arith.constant 0 : i32
    %dma_wait3A_88 = tpu.memref_slice %arg7[%dma_wait3A, %dma_wait3A_87] : memref<4x128xi32, #tpu.memory_space<vmem>> -> memref<1x128xi32, #tpu.memory_space<vmem>>
    %dma_wait3A_89 = tpu.memref_squeeze %dma_wait3A_88 : memref<1x128xi32, #tpu.memory_space<vmem>> -> memref<128xi32, #tpu.memory_space<vmem>>
    %dma_wait3A_90 = arith.constant 0 : i32
    %dma_wait3A_91 = arith.constant 0 : i32
    %dma_wait3A_92 = tpu.memref_slice %arg4[%dma_wait3A_90, %dma_wait3A_91] : memref<100000x64xf32, #tpu.memory_space<hbm>> -> memref<100000x64xf32, #tpu.memory_space<hbm>>
    tpu.wait_indirect_dma semaphore(%arg11 : memref<!tpu.dma_semaphore, #tpu.memory_space<semaphore_mem>>) src(%dma_wait3A_92 : memref<100000x64xf32, #tpu.memory_space<hbm>>) dst(%dma_wait3A_86 : memref<128x64xf32, #tpu.memory_space<vmem>>)
    %dma_wait3A_93 = arith.constant 0 : i32
    %dma_wait3A_94 = arith.constant 0 : i32
    %dma_wait3A_95 = arith.constant 0 : i32
    %dma_wait3A_96 = tpu.memref_slice %arg10[%dma_wait3A_94, %dma_wait3A_95] : memref<512x64xf32, #tpu.memory_space<vmem>> -> memref<128x64xf32, #tpu.memory_space<vmem>>
    %dma_wait3A_97 = arith.constant 0 : i32
    %dma_wait3A_98 = tpu.memref_slice %arg8[%dma_wait3A_93, %dma_wait3A_97] : memref<4x128xi32, #tpu.memory_space<vmem>> -> memref<1x128xi32, #tpu.memory_space<vmem>>
    %dma_wait3A_99 = tpu.memref_squeeze %dma_wait3A_98 : memref<1x128xi32, #tpu.memory_space<vmem>> -> memref<128xi32, #tpu.memory_space<vmem>>
    %dma_wait3A_100 = arith.constant 0 : i32
    %dma_wait3A_101 = arith.constant 0 : i32
    %dma_wait3A_102 = tpu.memref_slice %arg5[%dma_wait3A_100, %dma_wait3A_101] : memref<100000x64xf32, #tpu.memory_space<hbm>> -> memref<100000x64xf32, #tpu.memory_space<hbm>>
    tpu.wait_indirect_dma semaphore(%arg11 : memref<!tpu.dma_semaphore, #tpu.memory_space<semaphore_mem>>) src(%dma_wait3A_102 : memref<100000x64xf32, #tpu.memory_space<hbm>>) dst(%dma_wait3A_96 : memref<128x64xf32, #tpu.memory_space<vmem>>)
    %dma_wait3A_103 = arith.constant 1 : i32
    %dma_wait3A_104 = arith.constant 128 : i32
    %dma_wait3A_105 = arith.constant 0 : i32
    %dma_wait3A_106 = tpu.memref_slice %arg9[%dma_wait3A_104, %dma_wait3A_105] : memref<512x64xf32, #tpu.memory_space<vmem>> -> memref<128x64xf32, #tpu.memory_space<vmem>>
    %dma_wait3A_107 = arith.constant 0 : i32
    %dma_wait3A_108 = tpu.memref_slice %arg7[%dma_wait3A_103, %dma_wait3A_107] : memref<4x128xi32, #tpu.memory_space<vmem>> -> memref<1x128xi32, #tpu.memory_space<vmem>>
    %dma_wait3A_109 = tpu.memref_squeeze %dma_wait3A_108 : memref<1x128xi32, #tpu.memory_space<vmem>> -> memref<128xi32, #tpu.memory_space<vmem>>
    %dma_wait3A_110 = arith.constant 0 : i32
    %dma_wait3A_111 = arith.constant 0 : i32
    %dma_wait3A_112 = tpu.memref_slice %arg4[%dma_wait3A_110, %dma_wait3A_111] : memref<100000x64xf32, #tpu.memory_space<hbm>> -> memref<100000x64xf32, #tpu.memory_space<hbm>>
    tpu.wait_indirect_dma semaphore(%arg11 : memref<!tpu.dma_semaphore, #tpu.memory_space<semaphore_mem>>) src(%dma_wait3A_112 : memref<100000x64xf32, #tpu.memory_space<hbm>>) dst(%dma_wait3A_106 : memref<128x64xf32, #tpu.memory_space<vmem>>)
    %dma_wait3A_113 = arith.constant 1 : i32
    %dma_wait3A_114 = arith.constant 128 : i32
    %dma_wait3A_115 = arith.constant 0 : i32
    %dma_wait3A_116 = tpu.memref_slice %arg10[%dma_wait3A_114, %dma_wait3A_115] : memref<512x64xf32, #tpu.memory_space<vmem>> -> memref<128x64xf32, #tpu.memory_space<vmem>>
    %dma_wait3A_117 = arith.constant 0 : i32
    %dma_wait3A_118 = tpu.memref_slice %arg8[%dma_wait3A_113, %dma_wait3A_117] : memref<4x128xi32, #tpu.memory_space<vmem>> -> memref<1x128xi32, #tpu.memory_space<vmem>>
    %dma_wait3A_119 = tpu.memref_squeeze %dma_wait3A_118 : memref<1x128xi32, #tpu.memory_space<vmem>> -> memref<128xi32, #tpu.memory_space<vmem>>
    %dma_wait3A_120 = arith.constant 0 : i32
    %dma_wait3A_121 = arith.constant 0 : i32
    %dma_wait3A_122 = tpu.memref_slice %arg5[%dma_wait3A_120, %dma_wait3A_121] : memref<100000x64xf32, #tpu.memory_space<hbm>> -> memref<100000x64xf32, #tpu.memory_space<hbm>>
    tpu.wait_indirect_dma semaphore(%arg11 : memref<!tpu.dma_semaphore, #tpu.memory_space<semaphore_mem>>) src(%dma_wait3A_122 : memref<100000x64xf32, #tpu.memory_space<hbm>>) dst(%dma_wait3A_116 : memref<128x64xf32, #tpu.memory_space<vmem>>)
    %dma_wait3A_123 = arith.constant 2 : i32
    %dma_wait3A_124 = arith.constant 256 : i32
    %dma_wait3A_125 = arith.constant 0 : i32
    %dma_wait3A_126 = tpu.memref_slice %arg9[%dma_wait3A_124, %dma_wait3A_125] : memref<512x64xf32, #tpu.memory_space<vmem>> -> memref<128x64xf32, #tpu.memory_space<vmem>>
    %dma_wait3A_127 = arith.constant 0 : i32
    %dma_wait3A_128 = tpu.memref_slice %arg7[%dma_wait3A_123, %dma_wait3A_127] : memref<4x128xi32, #tpu.memory_space<vmem>> -> memref<1x128xi32, #tpu.memory_space<vmem>>
    %dma_wait3A_129 = tpu.memref_squeeze %dma_wait3A_128 : memref<1x128xi32, #tpu.memory_space<vmem>> -> memref<128xi32, #tpu.memory_space<vmem>>
    %dma_wait3A_130 = arith.constant 0 : i32
    %dma_wait3A_131 = arith.constant 0 : i32
    %dma_wait3A_132 = tpu.memref_slice %arg4[%dma_wait3A_130, %dma_wait3A_131] : memref<100000x64xf32, #tpu.memory_space<hbm>> -> memref<100000x64xf32, #tpu.memory_space<hbm>>
    tpu.wait_indirect_dma semaphore(%arg11 : memref<!tpu.dma_semaphore, #tpu.memory_space<semaphore_mem>>) src(%dma_wait3A_132 : memref<100000x64xf32, #tpu.memory_space<hbm>>) dst(%dma_wait3A_126 : memref<128x64xf32, #tpu.memory_space<vmem>>)
    %dma_wait3A_133 = arith.constant 2 : i32
    %dma_wait3A_134 = arith.constant 256 : i32
    %dma_wait3A_135 = arith.constant 0 : i32
    %dma_wait3A_136 = tpu.memref_slice %arg10[%dma_wait3A_134, %dma_wait3A_135] : memref<512x64xf32, #tpu.memory_space<vmem>> -> memref<128x64xf32, #tpu.memory_space<vmem>>
    %dma_wait3A_137 = arith.constant 0 : i32
    %dma_wait3A_138 = tpu.memref_slice %arg8[%dma_wait3A_133, %dma_wait3A_137] : memref<4x128xi32, #tpu.memory_space<vmem>> -> memref<1x128xi32, #tpu.memory_space<vmem>>
    %dma_wait3A_139 = tpu.memref_squeeze %dma_wait3A_138 : memref<1x128xi32, #tpu.memory_space<vmem>> -> memref<128xi32, #tpu.memory_space<vmem>>
    %dma_wait3A_140 = arith.constant 0 : i32
    %dma_wait3A_141 = arith.constant 0 : i32
    %dma_wait3A_142 = tpu.memref_slice %arg5[%dma_wait3A_140, %dma_wait3A_141] : memref<100000x64xf32, #tpu.memory_space<hbm>> -> memref<100000x64xf32, #tpu.memory_space<hbm>>
    tpu.wait_indirect_dma semaphore(%arg11 : memref<!tpu.dma_semaphore, #tpu.memory_space<semaphore_mem>>) src(%dma_wait3A_142 : memref<100000x64xf32, #tpu.memory_space<hbm>>) dst(%dma_wait3A_136 : memref<128x64xf32, #tpu.memory_space<vmem>>)
    %dma_wait3A_143 = arith.constant 3 : i32
    %dma_wait3A_144 = arith.constant 384 : i32
    %dma_wait3A_145 = arith.constant 0 : i32
    %dma_wait3A_146 = tpu.memref_slice %arg9[%dma_wait3A_144, %dma_wait3A_145] : memref<512x64xf32, #tpu.memory_space<vmem>> -> memref<128x64xf32, #tpu.memory_space<vmem>>
    %dma_wait3A_147 = arith.constant 0 : i32
    %dma_wait3A_148 = tpu.memref_slice %arg7[%dma_wait3A_143, %dma_wait3A_147] : memref<4x128xi32, #tpu.memory_space<vmem>> -> memref<1x128xi32, #tpu.memory_space<vmem>>
    %dma_wait3A_149 = tpu.memref_squeeze %dma_wait3A_148 : memref<1x128xi32, #tpu.memory_space<vmem>> -> memref<128xi32, #tpu.memory_space<vmem>>
    %dma_wait3A_150 = arith.constant 0 : i32
    %dma_wait3A_151 = arith.constant 0 : i32
    %dma_wait3A_152 = tpu.memref_slice %arg4[%dma_wait3A_150, %dma_wait3A_151] : memref<100000x64xf32, #tpu.memory_space<hbm>> -> memref<100000x64xf32, #tpu.memory_space<hbm>>
    tpu.wait_indirect_dma semaphore(%arg11 : memref<!tpu.dma_semaphore, #tpu.memory_space<semaphore_mem>>) src(%dma_wait3A_152 : memref<100000x64xf32, #tpu.memory_space<hbm>>) dst(%dma_wait3A_146 : memref<128x64xf32, #tpu.memory_space<vmem>>)
    %dma_wait3A_153 = arith.constant 3 : i32
    %dma_wait3A_154 = arith.constant 384 : i32
    %dma_wait3A_155 = arith.constant 0 : i32
    %dma_wait3A_156 = tpu.memref_slice %arg10[%dma_wait3A_154, %dma_wait3A_155] : memref<512x64xf32, #tpu.memory_space<vmem>> -> memref<128x64xf32, #tpu.memory_space<vmem>>
    %dma_wait3A_157 = arith.constant 0 : i32
    %dma_wait3A_158 = tpu.memref_slice %arg8[%dma_wait3A_153, %dma_wait3A_157] : memref<4x128xi32, #tpu.memory_space<vmem>> -> memref<1x128xi32, #tpu.memory_space<vmem>>
    %dma_wait3A_159 = tpu.memref_squeeze %dma_wait3A_158 : memref<1x128xi32, #tpu.memory_space<vmem>> -> memref<128xi32, #tpu.memory_space<vmem>>
    %dma_wait3A_160 = arith.constant 0 : i32
    %dma_wait3A_161 = arith.constant 0 : i32
    %dma_wait3A_162 = tpu.memref_slice %arg5[%dma_wait3A_160, %dma_wait3A_161] : memref<100000x64xf32, #tpu.memory_space<hbm>> -> memref<100000x64xf32, #tpu.memory_space<hbm>>
    tpu.wait_indirect_dma semaphore(%arg11 : memref<!tpu.dma_semaphore, #tpu.memory_space<semaphore_mem>>) src(%dma_wait3A_162 : memref<100000x64xf32, #tpu.memory_space<hbm>>) dst(%dma_wait3A_156 : memref<128x64xf32, #tpu.memory_space<vmem>>)
    "tpu.region"() ({
      %run_scoped3A = tpu.sem_alloc : memref<!tpu.dma_semaphore, #tpu.memory_space<semaphore_mem>>
      %dma_start3A_163 = arith.constant 0 : i32
      %dma_start3A_164 = tpu.memref_slice %arg6[%mul3A_4, %dma_start3A_163] : memref<16384x128xf32, #tpu.memory_space<hbm>> -> memref<512x64xf32, #tpu.memory_space<hbm>>
      %dma_start3A_165 = arith.constant 0 : i32
      %dma_start3A_166 = tpu.memref_slice %arg6[%mul3A_4, %dma_start3A_165] : memref<16384x128xf32, #tpu.memory_space<hbm>> -> memref<512x64xf32, #tpu.memory_space<hbm>>
      tpu.enqueue_dma source(%arg9 : memref<512x64xf32, #tpu.memory_space<vmem>>) target(%dma_start3A_166 : memref<512x64xf32, #tpu.memory_space<hbm>>) target_semaphore(%run_scoped3A : memref<!tpu.dma_semaphore, #tpu.memory_space<semaphore_mem>>)
      %dma_wait3A_167 = arith.constant 0 : i32
      %dma_wait3A_168 = tpu.memref_slice %arg6[%mul3A_4, %dma_wait3A_167] : memref<16384x128xf32, #tpu.memory_space<hbm>> -> memref<512x64xf32, #tpu.memory_space<hbm>>
      %dma_wait3A_169 = arith.constant 0 : i32
      %dma_wait3A_170 = tpu.memref_slice %arg6[%mul3A_4, %dma_wait3A_169] : memref<16384x128xf32, #tpu.memory_space<hbm>> -> memref<512x64xf32, #tpu.memory_space<hbm>>
      tpu.wait_dma2 semaphore(%run_scoped3A : memref<!tpu.dma_semaphore, #tpu.memory_space<semaphore_mem>>) src(%arg9 : memref<512x64xf32, #tpu.memory_space<vmem>>) dst(%dma_wait3A_170 : memref<512x64xf32, #tpu.memory_space<hbm>>)
      tpu.yield
    }) : () -> ()
    "tpu.region"() ({
      %run_scoped3A = tpu.sem_alloc : memref<!tpu.dma_semaphore, #tpu.memory_space<semaphore_mem>>
      %dma_start3A_163 = arith.constant 64 : i32
      %dma_start3A_164 = tpu.memref_slice %arg6[%mul3A_4, %dma_start3A_163] : memref<16384x128xf32, #tpu.memory_space<hbm>> -> memref<512x64xf32, #tpu.memory_space<hbm>>
      %dma_start3A_165 = arith.constant 64 : i32
      %dma_start3A_166 = tpu.memref_slice %arg6[%mul3A_4, %dma_start3A_165] : memref<16384x128xf32, #tpu.memory_space<hbm>> -> memref<512x64xf32, #tpu.memory_space<hbm>>
      tpu.enqueue_dma source(%arg10 : memref<512x64xf32, #tpu.memory_space<vmem>>) target(%dma_start3A_166 : memref<512x64xf32, #tpu.memory_space<hbm>>) target_semaphore(%run_scoped3A : memref<!tpu.dma_semaphore, #tpu.memory_space<semaphore_mem>>)
      %dma_wait3A_167 = arith.constant 64 : i32
      %dma_wait3A_168 = tpu.memref_slice %arg6[%mul3A_4, %dma_wait3A_167] : memref<16384x128xf32, #tpu.memory_space<hbm>> -> memref<512x64xf32, #tpu.memory_space<hbm>>
      %dma_wait3A_169 = arith.constant 64 : i32
      %dma_wait3A_170 = tpu.memref_slice %arg6[%mul3A_4, %dma_wait3A_169] : memref<16384x128xf32, #tpu.memory_space<hbm>> -> memref<512x64xf32, #tpu.memory_space<hbm>>
      tpu.wait_dma2 semaphore(%run_scoped3A : memref<!tpu.dma_semaphore, #tpu.memory_space<semaphore_mem>>) src(%arg10 : memref<512x64xf32, #tpu.memory_space<vmem>>) dst(%dma_wait3A_170 : memref<512x64xf32, #tpu.memory_space<hbm>>)
      tpu.yield
    }) : () -> ()
    return
  }
}

module attributes {stable_mosaic.version = 14 : i64} {
  func.func @_mlp_body(%arg0: i32, %arg1: memref<1024x128xf32, #tpu.memory_space<vmem>>, %arg2: memref<128x512xf32, #tpu.memory_space<vmem>>, %arg3: memref<1x512xf32, #tpu.memory_space<vmem>>, %arg4: memref<1x512xf32, #tpu.memory_space<vmem>>, %arg5: memref<1x1xf32, #tpu.memory_space<vmem>>, %arg6: memref<1024x1xf32, #tpu.memory_space<vmem>>) attributes {dimension_semantics = [#tpu.dimension_semantics<arbitrary>], iteration_bounds = array<i64: 16>, scalar_prefetch = 0 : i64, scratch_operands = 0 : i64, tpu.core_type = #tpu.core_type<tc>, window_params = [{transform_indices = @transform_0, window_bounds = array<i64: 1024, 128>}, {pipeline_mode = #tpu.pipeline_mode<synchronous>, transform_indices = @transform_1, window_bounds = array<i64: 128, 512>}, {pipeline_mode = #tpu.pipeline_mode<synchronous>, transform_indices = @transform_2, window_bounds = array<i64: 1, 512>}, {pipeline_mode = #tpu.pipeline_mode<synchronous>, transform_indices = @transform_3, window_bounds = array<i64: 1, 512>}, {pipeline_mode = #tpu.pipeline_mode<synchronous>, transform_indices = @transform_4, window_bounds = array<i64: 1, 1>}, {transform_indices = @transform_5, window_bounds = array<i64: 1024, 1>}]} {
    %get3A = arith.constant 0 : index
    %get3A_0 = arith.constant 0 : index
    %get3A_1 = vector.load %arg1[%get3A, %get3A_0] : memref<1024x128xf32, #tpu.memory_space<vmem>>, vector<1024x128xf32>
    %get3A_2 = arith.constant 0 : index
    %get3A_3 = arith.constant 0 : index
    %get3A_4 = vector.load %arg2[%get3A_2, %get3A_3] : memref<128x512xf32, #tpu.memory_space<vmem>>, vector<128x512xf32>
    %dot_general3A = arith.constant dense<0.000000e+00> : vector<1024x512xf32>
    %dot_general3A_5 = tpu.matmul %get3A_1, %get3A_4, %dot_general3A {dimension_numbers = #tpu.dot_dimension_numbers<[1], [0], [0], [1], [0, 0, 1, 1], [], []>, transpose_lhs_hint = false} : vector<1024x128xf32>, vector<128x512xf32>, vector<1024x512xf32> -> vector<1024x512xf32>
    %get3A_6 = arith.constant 0 : index
    %get3A_7 = arith.constant 0 : index
    %get3A_8 = vector.load %arg3[%get3A_6, %get3A_7] : memref<1x512xf32, #tpu.memory_space<vmem>>, vector<1x512xf32>
    %add3A = vector.broadcast %get3A_8 : vector<1x512xf32> to vector<1024x512xf32>
    %add3A_9 = arith.addf %dot_general3A_5, %add3A : vector<1024x512xf32>
    %max3A = arith.constant 0.000000e+00 : f32
    %max3A_10 = vector.broadcast %max3A : f32 to vector<1024x512xf32>
    %max3A_11 = arith.maximumf %add3A_9, %max3A_10 : vector<1024x512xf32>
    %get3A_12 = arith.constant 0 : index
    %get3A_13 = arith.constant 0 : index
    %get3A_14 = vector.load %arg4[%get3A_12, %get3A_13] : memref<1x512xf32, #tpu.memory_space<vmem>>, vector<1x512xf32>
    %mul3A = vector.broadcast %get3A_14 : vector<1x512xf32> to vector<1024x512xf32>
    %mul3A_15 = arith.mulf %max3A_11, %mul3A : vector<1024x512xf32>
    %reduce_sum3A = arith.constant dense<0.000000e+00> : vector<1024xf32>
    %reduce_sum3A_16 = vector.multi_reduction <add>, %mul3A_15, %reduce_sum3A [1] : vector<1024x512xf32> to vector<1024xf32>
    %broadcast_in_dim3A = vector.shape_cast %reduce_sum3A_16 : vector<1024xf32> to vector<1024x1xf32>
    %get3A_17 = arith.constant 0 : index
    %get3A_18 = arith.constant 0 : index
    %get3A_19 = vector.load %arg5[%get3A_17, %get3A_18] : memref<1x1xf32, #tpu.memory_space<vmem>>, vector<1x1xf32>
    %add3A_20 = vector.broadcast %get3A_19 : vector<1x1xf32> to vector<1024x1xf32>
    %add3A_21 = arith.addf %broadcast_in_dim3A, %add3A_20 : vector<1024x1xf32>
    %swap3A = arith.constant 0 : index
    %swap3A_22 = arith.constant 0 : index
    %swap3A_23 = vector.load %arg6[%swap3A, %swap3A_22] : memref<1024x1xf32, #tpu.memory_space<vmem>>, vector<1024x1xf32>
    tpu.vector_store %arg6[%swap3A, %swap3A_22], %add3A_21 {strides = array<i32>} : memref<1024x1xf32, #tpu.memory_space<vmem>>, vector<1024x1xf32>,
    return
  }
  func.func @transform_0(%arg0: i32) -> (i32, i32) {
    %c0_i32 = arith.constant 0 : i32
    %c0_i32_0 = arith.constant 0 : i32
    return %arg0, %c0_i32 : i32, i32
  }
  func.func @transform_1(%arg0: i32) -> (i32, i32) {
    %c0_i32 = arith.constant 0 : i32
    %c0_i32_0 = arith.constant 0 : i32
    %c0_i32_1 = arith.constant 0 : i32
    return %c0_i32, %c0_i32_0 : i32, i32
  }
  func.func @transform_2(%arg0: i32) -> (i32, i32) {
    %c0_i32 = arith.constant 0 : i32
    %c0_i32_0 = arith.constant 0 : i32
    %c0_i32_1 = arith.constant 0 : i32
    return %c0_i32, %c0_i32_0 : i32, i32
  }
  func.func @transform_3(%arg0: i32) -> (i32, i32) {
    %c0_i32 = arith.constant 0 : i32
    %c0_i32_0 = arith.constant 0 : i32
    %c0_i32_1 = arith.constant 0 : i32
    return %c0_i32, %c0_i32_0 : i32, i32
  }
  func.func @transform_4(%arg0: i32) -> (i32, i32) {
    %c0_i32 = arith.constant 0 : i32
    %c0_i32_0 = arith.constant 0 : i32
    %c0_i32_1 = arith.constant 0 : i32
    return %c0_i32, %c0_i32_0 : i32, i32
  }
  func.func @transform_5(%arg0: i32) -> (i32, i32) {
    %c0_i32 = arith.constant 0 : i32
    %c0_i32_0 = arith.constant 0 : i32
    return %arg0, %c0_i32 : i32, i32
  }
}

</mosaic_0001>

<sc_bundles>
// kernel: kernel.4.cloned.1.call-start
scs
__scs_entry_jumppad:
0x0: {  	(pc) =	sbr.rel $0x88, $3  }
0x1: {  	(tag) =	ssettag $0x0;
	lr =	simm.s32 $0x1  }
0x2: {  	[smem:$0x3F99] =	sst lr;
	_ =	strace $0xD0000000  }
0x3: {  	_ = 	snop  }
0x4: {  	_ = 	snop  }
0x5: {  	_ = 	snop  }
0x6: {  	_ = 	snop  }
0x7: {  	_ = 	snop  }
__scs_overlays_trampoline_lowered:
0x8: {  	[smem:$0x3FA8] =	sst s0  }
0x9: {  	[smem:$0x3FA9] =	sst s1  }
0xa: {  	[smem:$0x3FAA] =	sst s2  }
0xb: {  	[smem:$0x3FAB] =	sst s3  }
0xc: {  	[smem:$0x3FAC] =	sst s4  }
0xd: {  	[smem:$0x3FAD] =	sst s5  }
0xe: {  	[smem:$0x3FAE] =	sst s6  }
0xf: {  	[smem:$0x3FAF] =	sst s7  }
0x10: {  	[smem:$0x3FB0] =	sst s8  }
0x11: {  	[smem:$0x3FB1] =	sst s9;
	s0 =	simm.s32 @!p0 $0x0  }
0x12: {  	s1 =	sld [smem:$0x3F97];
	s0 =	simm.s32 @p0 $0x1  }
0x13: {  	[smem:$0x3FB2] =	sst s0;
	s0 =	simm.s32 @!p1 $0x0  }
0x14: {  	s2 =	sld [smem:$0x3F96];
	s0 =	simm.s32 @p1 $0x1  }
0x15: {  	[smem:$0x3FB3] =	sst s0;
	s0 =	simm.s32 @!p2 $0x0  }
0x16: {  	s3 =	sld [smem:$0x3FDB];
	s0 =	simm.s32 @p2 $0x1  }
0x17: {  	s4 =	simm.s32 $0x1BF5;
	[smem:$0x3FB5] =	sst s0  }
0x18: {  	s0 =	sld [smem:$0x3F98];
	_ =	swait.ge [sflag:s4], $0x0  }
0x19: {  	s7 =	sld [smem:$0x3F99]  }
0x1a: {  	s8 =	sadd.s32 $0xFFFFE003, lr  }
0x1b: {  	s9 =	sadd.s32 $0xFFFFFEF7, lr;
	s5 =	simm.s32 $0xFFFFFFFF;
	p2 =	slt.u32 s8, $0xFFFFF086  }
0x1c: {  	p1 =	slt.u32 s9, $0xF7A;
	s5 =	simm.s32 @!p2 $0x0  }
0x1d: {  	s5 =	simm.s32 @p1 $0x1;
	p0 =	seq.s32 s7, s2  }
0x1e: {  	s7 =	smul.u32 @!p0 $0xF7A, s2;
	p2 =	seq.s32 @!p0 s5, $0x0  }
0x1f: {  	s9 =	smul.u32 $0xF7A, s1;
	s8 =	simm.s32 @!p0 $0x1BF5;
	p2 =	por !p2, p0  }
0x20: {  	[sflag:s8] =	ssyncset.s32 @!p0 $0xFFFFF086;
	s6 =	sadd.s32 @!p0 s3, s7;
	s7 =	simm.s32 @!p0 $0x108  }
0x21: {  	s3 =	sadd.s32 s3, s9;
	s6 =	sadd.s32 @!p0 $0x88, s6;
	s7 =	simm.s32 @p2 $0x1082  }
0x22: {  	[simem:s7], [sflag:s8] =	dma.local @!p0 [hbm:s6], $0xF7A  }
0x23: {  	s9 =	sor.u32 $0xD0000000, s2;
	s6 =	simm.s32 $0x108;
	_ =	swait.ge @!p0 [sflag:s8], $0x0  }
0x24: {  	s3 =	sadd.s32 $0x88, s3;
	s6 =	simm.s32 @!p1 $0x1082;
	[sflag:s4] =	ssyncset.s32 $0xFFFFF086  }
0x25: {  	[simem:s6], [sflag:s4] =	dma.local [hbm:s3], $0xF7A  }
0x26: {  	[smem:$0x3F99] =	sst s1;
	(tag) =	ssettag s2;
	_ =	strace s9  }
0x27: {  	s1 =	sld [smem:$0x3FA9]  }
0x28: {  	s2 =	sld [smem:$0x3FAA]  }
0x29: {  	s4 =	sld [smem:$0x3FAC]  }
0x2a: {  	p0 =	seq.s32 s5, $0x0;
	s5 =	sld [smem:$0x3FAD]  }
0x2b: {  	s6 =	sld [smem:$0x3FAE]  }
0x2c: {  	s7 =	sld [smem:$0x3FAF]  }
0x2d: {  	s3 =	simm.s32 $0x108;
	s8 =	sld [smem:$0x3FB0]  }
0x2e: {  	s3 =	simm.s32 @!p0 $0x1082;
	s9 =	sld [smem:$0x3FB1]  }
0x2f: {  	lr =	sadd.s32 s0, s3;
	s0 =	sld [smem:$0x3FA8]  }
0x30: {  	s3 =	sld [smem:$0x3FAB]  }
0x31: {  	[smem:$0x3FB4] =	sst s10  }
0x32: {  	s10 =	sld [smem:$0x3FB2];
	_ =	sdelay $0x3  }
0x33: {  	p0 =	seq.s32 s10, $0x1;
	s10 =	sld [smem:$0x3FB4];
	_ =	sdelay $0x3  }
0x34: {  	[smem:$0x3FB4] =	sst s10  }
0x35: {  	s10 =	sld [smem:$0x3FB3];
	_ =	sdelay $0x3  }
0x36: {  	p1 =	seq.s32 s10, $0x1;
	s10 =	sld [smem:$0x3FB4];
	_ =	sdelay $0x3  }
0x37: {  	[smem:$0x3FB4] =	sst s10  }
0x38: {  	s10 =	sld [smem:$0x3FB5]  }
0x39: {  	_ = 	snop;
	(pc) =	sbr.ind lr, $3  }
0x3a: {  	_ = 	snop  }
0x3b: {  	_ = 	snop  }
0x3c: {  	p2 =	seq.s32 s10, $0x1;
	s10 =	sld [smem:$0x3FB4]  }
0x3d: {  	_ =	shalt  }
0x3e: {  	_ =	shalt  }
0x3f: {  	_ =	shalt  }
0x40: {  	_ =	shalt  }
0x41: {  	_ =	shalt  }
0x42: {  	_ =	shalt  }
0x43: {  	_ =	shalt  }
0x44: {  	_ =	shalt  }
0x45: {  	_ =	shalt  }
0x46: {  	_ =	shalt  }
0x47: {  	_ =	shalt  }
0x48: {  	_ =	shalt  }
0x49: {  	_ =	shalt  }
0x4a: {  	_ =	shalt  }
0x4b: {  	_ =	shalt  }
0x4c: {  	_ =	shalt  }
0x4d: {  	_ =	shalt  }
0x4e: {  	_ =	shalt  }
0x4f: {  	_ =	shalt  }
0x50: {  	_ =	shalt  }
0x51: {  	_ =	shalt  }
0x52: {  	_ =	shalt  }
0x53: {  	_ =	shalt  }
0x54: {  	_ =	shalt  }
0x55: {  	_ =	shalt  }
0x56: {  	_ =	shalt  }
0x57: {  	_ =	shalt  }
0x58: {  	_ =	shalt  }
0x59: {  	_ =	shalt  }
0x5a: {  	_ =	shalt  }
0x5b: {  	_ =	shalt  }
0x5c: {  	_ =	shalt  }
0x5d: {  	_ =	shalt  }
0x5e: {  	_ =	shalt  }
0x5f: {  	_ =	shalt  }
0x60: {  	_ =	shalt  }
0x61: {  	_ =	shalt  }
0x62: {  	_ =	shalt  }
0x63: {  	_ =	shalt  }
0x64: {  	_ =	shalt  }
0x65: {  	_ =	shalt  }
0x66: {  	_ =	shalt  }
0x67: {  	_ =	shalt  }
0x68: {  	_ =	shalt  }
0x69: {  	_ =	shalt  }
0x6a: {  	_ =	shalt  }
0x6b: {  	_ =	shalt  }
0x6c: {  	_ =	shalt  }
0x6d: {  	_ =	shalt  }
0x6e: {  	_ =	shalt  }
0x6f: {  	_ =	shalt  }
0x70: {  	_ =	shalt  }
0x71: {  	_ =	shalt  }
0x72: {  	_ =	shalt  }
0x73: {  	_ =	shalt  }
0x74: {  	_ =	shalt  }
0x75: {  	_ =	shalt  }
0x76: {  	_ =	shalt  }
0x77: {  	_ =	shalt  }
0x78: {  	_ =	shalt  }
0x79: {  	_ =	shalt  }
0x7a: {  	_ =	shalt  }
0x7b: {  	_ =	shalt  }
0x7c: {  	_ =	shalt  }
0x7d: {  	_ =	shalt  }
0x7e: {  	_ =	shalt  }
0x7f: {  	_ =	shalt  }
0x80: {  	_ =	shalt  }
0x81: {  	_ =	shalt  }
0x82: {  	_ =	shalt  }
0x83: {  	_ =	shalt  }
0x84: {  	_ =	shalt  }
0x85: {  	_ =	shalt  }
0x86: {  	_ =	shalt  }
0x87: {  	_ =	shalt  }
.Lfunc_end0:
.L_simem_size_0:
called_computation_lowered:
.L_overlay_start_0:
0x88: {  	s2 =	sld [smem:$0x3FD9]  }
0x89: {  	s3 =	sld [smem:$0x3FFE];
	_ =	sdelay $0x1  }
0x8a: {  	s1 =	srdreg.scid  }
0x8b: {  	s0 =	sand.u32 $0x1, s1  }
0x8c: {  	s17 =	sshll.u32 s0, $0xA;
	s2 =	sadd.s32 s3, s2  }
0x8d: {  	s2 =	sadd.s32 s2, s17  }
0x8e: {  	[smem:$0x3FC0] =	sst s2  }
0x8f: {  	_ = 	snop  }
0x90: {  	s2 =	sld [smem:$0x3FC9]  }
0x91: {  	s18 =	sld [smem:$0x3FC8];
	(tm) =	ssettm $0x1  }
0x92: {  	s4 =	sld [smem:$0x3FFB];
	_ =	sdelay $0x3  }
0x93: {  	_ =	strace s4  }
0x94: {  	s4 =	sld [smem:$0x3FFC];
	_ =	sdelay $0x3  }
0x95: {  	_ =	strace s4  }
0x96: {  	s4 =	sld [smem:$0x3FFD];
	_ =	sdelay $0x3  }
0x97: {  	_ =	strace s4  }
0x98: {  	_ =	strace $0x8FFFFFFF  }
0x99: {  	s19 =	sld [smem:$0x3FDB];
	_ =	sdelay $0x1  }
0x9a: {  	s5 =	simm.s32 $_scs_section_size  }
0x9b: {  	s6 =	simm.s32 $_size__tile_overlayer_lowered;
	s7 =	simm.s32 $_tile_overlayer_lowered  }
0x9c: {  	s22 =	simm.s32 $0x1BFF;
	s21 =	sshll.u32 s7, $0x1;
	s4 =	sadd.s32 s5, s19  }
0x9d: {  	s8 =	simm.s32 $0x0;
	s20 =	sshll.u32 s6, $0x1;
	s6 =	sadd.s32 s21, s4  }
0x9e: {  	[timem:s8], [sflag:s22] =	dma.local [hbm:s6], s20  }
0x9f: {  	_ =	swait.ge [sflag:s22], s20  }
0xa0: {  	s5 =	ssub.s32 $0x0, s20;
	[sflag:s22] =	ssyncset.done $0x0  }
0xa1: {  	[sflag:s22] =	ssyncadd.s32 s5;
	_ =	sdelay $0x1  }
0xa2: {  	s23 =	simm.s32 $0x1B8B  }
0xa3: {  	_ =	swait.ge [sflag:s23], $0x1  }
0xa4: {  	[sflag:s23] =	ssyncset.done $0x0  }
0xa5: {  	s25 =	simm.s32 $0x1B8E;
	s24 =	sld [smem:$0x3FFE];
	[sflag:s23] =	ssyncadd.s32 $0xFFFFFFFF  }
0xa6: {  	s26 =	simm.s32 $execute0_lowered;
	[smem:$0x3FD2] =	sst s25  }
0xa7: {  	s6 =	sshll.u32 s26, $0x1;
	_ =	strace $0x80000046;
	[dreg:$0x1] =	wrdreg $0xFFFFFFFF  }
0xa8: {  	s28 =	simm.s32 $_size_execute0_lowered;
	s4 =	sadd.s32 s4, s6;
	[dreg:$0x0] =	wrdreg $0x0  }
0xa9: {  	s6 =	sshll.u32 s28, $0x1;
	[dreg:$0x2] =	wrdreg s4  }
0xaa: {  	[dreg:$0x3] =	wrdreg s6  }
0xab: {  	[dreg:$0x4] =	wrdreg $0xC0  }
0xac: {  	_ =	task [dreg:s8], $0x5FFFF  }
0xad: {  	[dreg:$0x1] =	wrdreg $0xFFFFFFFF  }
0xae: {  	[dreg:$0x0] =	wrdreg $0x60  }
0xaf: {  	[dreg:$0x2] =	wrdreg s2  }
0xb0: {  	[dreg:$0x3] =	wrdreg s18  }
0xb1: {  	[dreg:$0x4] =	wrdreg s24  }
0xb2: {  	[dreg:$0x5] =	wrdreg $0x9  }
0xb3: {  	_ =	task.clear_ibuf [dreg:s8], $0x6FFFF;
	_ =	strace $0x90000046  }
0xb4: {  	s29 =	simm.s32 $0x9;
	_ =	strace $0x80000048  }
0xb5: {  	_ =	swait.ge [sflag:s29], $0x1  }
0xb6: {  	[sflag:s29] =	ssyncadd.s32 $0xFFFFFFFF  }
0xb7: {  	_ =	strace $0x90000048  }
0xb8: {  	_ =	sfence  }
0xb9: {  	s30 =	sld [smem:$0x0];
	_ =	sdelay $0x2  }
0xba: {  	s31 =	sshll.u32 s1, $0xD;
	s1 =	sshrl.u32 s1, $0x2  }
0xbb: {  	s3 =	sand.u32 $0x4000, s31;
	s1 =	sadd.s32 s1, s30  }
0xbc: {  	s0 =	sor.u32 s3, s0;
	s1 =	sshll.u32 s1, $0x11  }
0xbd: {  	s0 =	sor.u32 s1, s0  }
0xbe: {  	s0 =	sadd.s32 $0x8F2B, s0  }
0xbf: {  	[sflag:s0] =	ssyncadd.remote.s32 $0x1  }
0xc0: {  	_ =	sfence.sel $0xFFFF  }
0xc1: {  	[dreg:$0x0] =	wrdreg $0xFFFFFFFF;
	(pc) =	sbr.abs _section_cstart, $3  }
0xc2: {  	[dreg:$0x1] =	wrdreg $0xFFFFFFFF  }
0xc3: {  	_ =	task.clear_ibuf [dreg:s8], $0x2FFFF;
	_ =	strace $0x9FFFFFFF  }
0xc4: {  	(tm) =	ssettm $0x7FFFFFFF  }
0xc5: {  	_ =	shalt  }
tec
execute0_lowered:
.L_overlay_start_1:
0x0: {  	(tag) =	ssettag $0x1  }
0x1: {  	s3 =	rddreg [dreg:$0x0]  }
0x2: {  	s5 =	rddreg [dreg:$0x1]  }
0x3: {  	s1 =	srdreg.scid;
	s0 =	stileid.u32  }
0x4: {  	s24 =	rddreg [dreg:$0x2];
	s25 =	sand.u32 $0x1, s1;
	s4 =	sshll.u32 s0, $0x1  }
0x5: {  	s2 =	simm.s32 $0x0;
	s1 =	rddreg [dreg:$0x3];
	s26 =	sor.u32 s25, s4  }
0x6: {  	[smem:$0x7FF] =	sst s2;
	s6 =	sshll.u32 s26, $0x6  }
0x7: {  	_ =	strace $0x80000047;
	s4 =	sadd.s32 s3, s6;
	s3 =	simm.s32 $0x2  }
0x8: {  	[tilespmem:s2], [sflag:$0x2] =	stream.linear.gather [hbm4b:s4+s2], $0x200, $0x38;
	[tilespmem:$0x10400] =	vst v63  }
0x9: {  	_ =	swait.ge [sflag:s3], $0x200  }
0xa: {  	[sflag:s3] =	ssyncset.done $0x0  }
0xb: {  	s5 =	sadd.s32 s5, s6;
	s6 =	simm.s32 $0x200;
	[sflag:s3] =	ssyncadd.s32 $0xFFFFFE00  }
0xc: {  	[tilespmem:s6], [sflag:$0x2] =	stream.linear.gather [hbm4b:s5+s2], $0x200, $0x38;
	[tilespmem:$0x10400] =	vst v63  }
0xd: {  	_ =	swait.ge [sflag:s3], $0x200  }
0xe: {  	s8 =	simm.s32 $0x80;
	[sflag:s3] =	ssyncset.done $0x0  }
0xf: {  	s9 =	simm.s32 $0x400;
	s7 =	sadd.s32 $0x24C800, s24;
	[sflag:s3] =	ssyncadd.s32 $0xFFFFFE00  }
0x10: {  	[tilespmem:s9], [sflag:$0x1] =	stream.indirect.gather [hbm4b:s7+s8], $0x40, s2, s8, $0xb8;
	[tilespmem:$0x10400] =	vst v63  }
0x11: {  	s11 =	simm.s32 $0x8400;
	s10 =	sadd.s32 $0x189200, s24  }
0x12: {  	[tilespmem:s11], [sflag:$0x1] =	stream.indirect.gather [hbm4b:s10+s8], $0x40, s6, s8, $0xb8;
	[tilespmem:$0x10400] =	vst v63  }
0x13: {  	s12 =	simm.s32 $0x2400  }
0x14: {  	[tilespmem:s12], [sflag:$0x1] =	stream.indirect.gather [hbm4b:s7+s8], $0x40, s8, s8, $0xb8;
	[tilespmem:$0x10400] =	vst v63  }
0x15: {  	s13 =	simm.s32 $0x280;
	s14 =	simm.s32 $0xA400  }
0x16: {  	[tilespmem:s14], [sflag:$0x1] =	stream.indirect.gather [hbm4b:s10+s8], $0x40, s13, s8, $0xb8;
	[tilespmem:$0x10400] =	vst v63  }
0x17: {  	s15 =	simm.s32 $0x100;
	s16 =	simm.s32 $0x4400  }
0x18: {  	[tilespmem:s16], [sflag:$0x1] =	stream.indirect.gather [hbm4b:s7+s8], $0x40, s15, s8, $0xb8;
	[tilespmem:$0x10400] =	vst v63  }
0x19: {  	s17 =	simm.s32 $0x300;
	s18 =	simm.s32 $0xC400  }
0x1a: {  	[tilespmem:s18], [sflag:$0x1] =	stream.indirect.gather [hbm4b:s10+s8], $0x40, s17, s8, $0xb8;
	[tilespmem:$0x10400] =	vst v63  }
0x1b: {  	s19 =	simm.s32 $0x180;
	s20 =	simm.s32 $0x6400  }
0x1c: {  	[tilespmem:s20], [sflag:$0x1] =	stream.indirect.gather [hbm4b:s7+s8], $0x40, s19, s8, $0xb8;
	[tilespmem:$0x10400] =	vst v63  }
0x1d: {  	s21 =	simm.s32 $0x380;
	s22 =	simm.s32 $0xE400;
	s23 =	simm.s32 $0x1  }
0x1e: {  	[tilespmem:s22], [sflag:$0x1] =	stream.indirect.gather [hbm4b:s10+s8], $0x40, s21, s8, $0xb8;
	[tilespmem:$0x10400] =	vst v63  }
0x1f: {  	_ =	swait.ge [sflag:s23], $0x2000  }
0x20: {  	[sflag:s23] =	ssyncset.done $0x0  }
0x21: {  	[sflag:s23] =	ssyncadd.s32 $0xFFFFE000  }
0x22: {  	_ =	swait.ge [sflag:s23], $0x2000  }
0x23: {  	[sflag:s23] =	ssyncset.done $0x0  }
0x24: {  	[sflag:s23] =	ssyncadd.s32 $0xFFFFE000  }
0x25: {  	_ =	swait.ge [sflag:s23], $0x2000  }
0x26: {  	[sflag:s23] =	ssyncset.done $0x0  }
0x27: {  	[sflag:s23] =	ssyncadd.s32 $0xFFFFE000  }
0x28: {  	_ =	swait.ge [sflag:s23], $0x2000  }
0x29: {  	[sflag:s23] =	ssyncset.done $0x0  }
0x2a: {  	[sflag:s23] =	ssyncadd.s32 $0xFFFFE000  }
0x2b: {  	_ =	swait.ge [sflag:s23], $0x2000  }
0x2c: {  	[sflag:s23] =	ssyncset.done $0x0  }
0x2d: {  	[sflag:s23] =	ssyncadd.s32 $0xFFFFE000  }
0x2e: {  	_ =	swait.ge [sflag:s23], $0x2000  }
0x2f: {  	[sflag:s23] =	ssyncset.done $0x0  }
0x30: {  	[sflag:s23] =	ssyncadd.s32 $0xFFFFE000  }
0x31: {  	_ =	swait.ge [sflag:s23], $0x2000  }
0x32: {  	[sflag:s23] =	ssyncset.done $0x0  }
0x33: {  	s28 =	ssub.s32 $0x2, s25;
	s25 =	simm.s32 $0x40;
	[sflag:s23] =	ssyncadd.s32 $0xFFFFE000  }
0x34: {  	s26 =	sshll.u32 s26, $0xD;
	s29 =	sshrl.u32 s28, $0x1;
	_ =	swait.ge [sflag:s23], $0x2000  }
0x35: {  	s26 =	sadd.s32 s26, s24;
	s28 =	ssub.s32 s28, s29;
	[sflag:s23] =	ssyncset.done $0x0  }
0x36: {  	s24 =	sadd.s32 $0x2800, s26;
	s28 =	smax.u32 s28, $0x1;
	[sflag:s23] =	ssyncadd.s32 $0xFFFFE000  }
0x37: {  	[hbm4b:s24+s25] =	stream.strided.scatter [tilespmem:s9], [sflag:$0x2], $0x8000, s8, s25, $0x38;
	[tilespmem:$0x10400] =	vst v63  }
0x38: {  	p0 =	sne.s32 s28, $0x1;
	_ =	swait.ge [sflag:s3], $0x8000  }
.Ltmp0:
0x39: {  	[sflag:s3] =	ssyncset.done $0x0;
	(pc) =	sbr.rel @!p0 .LBB2_2-.Ltmp0, $4  }
0x3a: {  	s26 =	sadd.s32 $0x2808, s26;
	[sflag:s3] =	ssyncadd.s32 $0xFFFF8000  }
0x3b: {  	[hbm4b:s26+s25] =	stream.strided.scatter [tilespmem:s11], [sflag:$0x2], $0x8000, s8, s25, $0x38;
	[tilespmem:$0x10400] =	vst v63  }
0x3c: {  	_ =	swait.ge [sflag:s3], $0x8000  }
0x3d: {  	s28 =	sadd.s32 $0xFFFFFFFF, s28;
	[sflag:s3] =	ssyncset.done $0x0  }
.LBB2_1:
0x3e: {  	p0 =	sne.s32 s28, $0x1;
	s28 =	sadd.s32 $0xFFFFFFFF, s28;
	[sflag:s3] =	ssyncadd.s32 $0xFFFF8000  }
0x3f: {  	[tilespmem:s2], [sflag:$0x2] =	stream.linear.gather [hbm4b:s4+s2], $0x200, $0x38;
	[tilespmem:$0x10400] =	vst v63  }
0x40: {  	_ =	swait.ge [sflag:s3], $0x200  }
0x41: {  	[sflag:s3] =	ssyncset.done $0x0  }
0x42: {  	[sflag:s3] =	ssyncadd.s32 $0xFFFFFE00  }
0x43: {  	[tilespmem:s6], [sflag:$0x2] =	stream.linear.gather [hbm4b:s5+s2], $0x200, $0x38;
	[tilespmem:$0x10400] =	vst v63  }
0x44: {  	_ =	swait.ge [sflag:s3], $0x200  }
0x45: {  	[sflag:s3] =	ssyncset.done $0x0  }
0x46: {  	[sflag:s3] =	ssyncadd.s32 $0xFFFFFE00  }
0x47: {  	[tilespmem:s9], [sflag:$0x1] =	stream.indirect.gather [hbm4b:s7+s8], $0x40, s2, s8, $0xb8;
	[tilespmem:$0x10400] =	vst v63  }
0x48: {  	_ = 	snop  }
0x49: {  	[tilespmem:s11], [sflag:$0x1] =	stream.indirect.gather [hbm4b:s10+s8], $0x40, s6, s8, $0xb8;
	[tilespmem:$0x10400] =	vst v63  }
0x4a: {  	_ = 	snop  }
0x4b: {  	[tilespmem:s12], [sflag:$0x1] =	stream.indirect.gather [hbm4b:s7+s8], $0x40, s8, s8, $0xb8;
	[tilespmem:$0x10400] =	vst v63  }
0x4c: {  	_ = 	snop  }
0x4d: {  	[tilespmem:s14], [sflag:$0x1] =	stream.indirect.gather [hbm4b:s10+s8], $0x40, s13, s8, $0xb8;
	[tilespmem:$0x10400] =	vst v63  }
0x4e: {  	_ = 	snop  }
0x4f: {  	[tilespmem:s16], [sflag:$0x1] =	stream.indirect.gather [hbm4b:s7+s8], $0x40, s15, s8, $0xb8;
	[tilespmem:$0x10400] =	vst v63  }
0x50: {  	_ = 	snop  }
0x51: {  	[tilespmem:s18], [sflag:$0x1] =	stream.indirect.gather [hbm4b:s10+s8], $0x40, s17, s8, $0xb8;
	[tilespmem:$0x10400] =	vst v63  }
0x52: {  	_ = 	snop  }
0x53: {  	[tilespmem:s20], [sflag:$0x1] =	stream.indirect.gather [hbm4b:s7+s8], $0x40, s19, s8, $0xb8;
	[tilespmem:$0x10400] =	vst v63  }
0x54: {  	_ = 	snop  }
0x55: {  	[tilespmem:s22], [sflag:$0x1] =	stream.indirect.gather [hbm4b:s10+s8], $0x40, s21, s8, $0xb8;
	[tilespmem:$0x10400] =	vst v63  }
0x56: {  	_ =	swait.ge [sflag:s23], $0x2000  }
0x57: {  	[sflag:s23] =	ssyncset.done $0x0  }
0x58: {  	[sflag:s23] =	ssyncadd.s32 $0xFFFFE000  }
0x59: {  	_ =	swait.ge [sflag:s23], $0x2000  }
0x5a: {  	[sflag:s23] =	ssyncset.done $0x0  }
0x5b: {  	[sflag:s23] =	ssyncadd.s32 $0xFFFFE000  }
0x5c: {  	_ =	swait.ge [sflag:s23], $0x2000  }
0x5d: {  	[sflag:s23] =	ssyncset.done $0x0  }
0x5e: {  	[sflag:s23] =	ssyncadd.s32 $0xFFFFE000  }
0x5f: {  	_ =	swait.ge [sflag:s23], $0x2000  }
0x60: {  	[sflag:s23] =	ssyncset.done $0x0  }
0x61: {  	[sflag:s23] =	ssyncadd.s32 $0xFFFFE000  }
0x62: {  	_ =	swait.ge [sflag:s23], $0x2000  }
0x63: {  	[sflag:s23] =	ssyncset.done $0x0  }
0x64: {  	[sflag:s23] =	ssyncadd.s32 $0xFFFFE000  }
0x65: {  	_ =	swait.ge [sflag:s23], $0x2000  }
0x66: {  	[sflag:s23] =	ssyncset.done $0x0  }
0x67: {  	[sflag:s23] =	ssyncadd.s32 $0xFFFFE000  }
0x68: {  	_ =	swait.ge [sflag:s23], $0x2000  }
0x69: {  	[sflag:s23] =	ssyncset.done $0x0  }
0x6a: {  	[sflag:s23] =	ssyncadd.s32 $0xFFFFE000  }
0x6b: {  	_ =	swait.ge [sflag:s23], $0x2000  }
0x6c: {  	[sflag:s23] =	ssyncset.done $0x0  }
0x6d: {  	[sflag:s23] =	ssyncadd.s32 $0xFFFFE000  }
0x6e: {  	[hbm4b:s24+s25] =	stream.strided.scatter [tilespmem:s9], [sflag:$0x2], $0x8000, s8, s25, $0x38;
	[tilespmem:$0x10400] =	vst v63  }
0x6f: {  	_ =	swait.ge [sflag:s3], $0x8000  }
.Ltmp1:
0x70: {  	[sflag:s3] =	ssyncset.done $0x0;
	(pc) =	sbr.rel @p0 .LBB2_1-.Ltmp1, $4  }
0x71: {  	[sflag:s3] =	ssyncadd.s32 $0xFFFF8000  }
0x72: {  	[hbm4b:s26+s25] =	stream.strided.scatter [tilespmem:s11], [sflag:$0x2], $0x8000, s8, s25, $0x38;
	[tilespmem:$0x10400] =	vst v63  }
0x73: {  	_ =	swait.ge [sflag:s3], $0x8000  }
0x74: {  	[sflag:s3] =	ssyncset.done $0x0  }
.LBB2_2:
0x75: {  	[sflag:s3] =	ssyncadd.s32 $0xFFFF8000  }
0x76: {  	_ =	sfence.sel $0x180000  }
0x77: {  	[bflag:$0x0] =	sbarrier.arrive $0xFFFF  }
0x78: {  	p0 =	sne.s32 s0, $0x0;
	_ =	strace $0x90000047  }
0x79: {  	s0 =	sadd.s32 @!p0 $0x100000, s1;
	[bflag:$0x2] =	sbarrier.arrive $0xFFFF  }
0x7a: {  	[sflag:s0] =	ssyncadd.tile.s32 @!p0 $0x1;
	_ =	shalt  }
.Lfunc_end2:
_tile_overlayer_lowered:
.L_overlay_start_2:
0x7b: {  	(tag) =	ssettag $0x2  }
0x7c: {  	s0 =	rddreg [dreg:$0x0];
	s2 =	stileid.u32  }
0x7d: {  	s1 =	rddreg [dreg:$0x1];
	p0 =	sne.s32 s2, $0x0  }
0x7e: {  	s3 =	rddreg [dreg:$0x2];
	[bflag:$0x3] =	sbarrier.arrive $0xFFFF;
	s2 =	simm.s32 @!p0 $0x1C02  }
0x7f: {  	[timem:s3], [sflag:s2] =	dma.local @!p0 [hbm:s0], s1  }
0x80: {  	s0 =	simm.s32 @!p0 $0x2  }
0x81: {  	_ =	swait.ge @!p0 [sflag:s0], s1  }
0x82: {  	s1 =	ssub.s32 @!p0 $0x0, s1;
	[sflag:s0] =	ssyncset.done @!p0 $0x0  }
0x83: {  	[sflag:s0] =	ssyncadd.s32 @!p0 s1  }
0x84: {  	[bflag:$0x3] =	sbarrier.arrive $0xFFFF  }
0x85: {  	_ =	shalt  }

</sc_bundles>
